<compile_context>
chip_gen: v7x
topology: tpu7x:2x2x1
jax: 0.10.2.dev20260603
libtpu: 0.0.44.dev20260713+nightly
codegen_flags: <defaults>
</compile_context>

<pallas_src>
import functools

import jax
import jax.numpy as jnp
from jax.experimental import pallas as pl
from jax.experimental.pallas import tpu as pltpu
from jax.experimental.pallas import tpu_sc as plsc

NE = 64
H = 1024
I = 768
T = 2048
A = 2 * T
BM = 128
NT = 96
S = NT * BM


def _prep_kernel(x_ref, gw_ref, pos_ref, wf_ref, te_ref, nu_ref):
    x = x_ref[...]
    gw = gw_ref[...]
    logits = jax.lax.dot_general(
        x, gw, (((1,), (1,)), ((), ())), preferred_element_type=jnp.float32
    )
    m = jnp.max(logits, axis=-1, keepdims=True)
    ex = jnp.exp(logits - m)
    p = ex / jnp.sum(ex, axis=-1, keepdims=True)

    col = jax.lax.broadcasted_iota(jnp.int32, (T, NE), 1)
    v1 = jnp.max(p, axis=-1, keepdims=True)
    i1 = jnp.min(jnp.where(p == v1, col, NE), axis=-1, keepdims=True)
    m1 = col == i1
    p2 = jnp.where(m1, -1.0, p)
    v2 = jnp.max(p2, axis=-1, keepdims=True)
    i2 = jnp.min(jnp.where(p2 == v2, col, NE), axis=-1, keepdims=True)
    m2 = col == i2
    s = v1 + v2

    O = jnp.concatenate([m1, m2], axis=0).astype(jnp.float32)
    wf = jnp.concatenate([v1 / s, v2 / s], axis=0)

    c = O
    sh = 1
    while sh < A:
        c = c + jnp.concatenate(
            [jnp.zeros((sh, NE), jnp.float32), c[:-sh]], axis=0
        )
        sh *= 2
    excl = c - O
    counts = c[A - 1:A, :]
    ntiles = jnp.ceil(counts / BM)

    ct = ntiles
    sh = 1
    while sh < NE:
        ct = ct + jnp.concatenate(
            [jnp.zeros((1, sh), jnp.float32), ct[:, :-sh]], axis=1
        )
        sh *= 2
    base_rows = (ct - ntiles) * BM

    pos = jnp.sum(O * (excl + base_rows), axis=1, keepdims=True)
    pos_ref[...] = pos
    wf_ref[...] = wf

    tix = jax.lax.broadcasted_iota(jnp.int32, (128, NE), 0).astype(
        jnp.float32
    )
    te = jnp.sum(jnp.where(ct <= tix, 1.0, 0.0), axis=1, keepdims=True)
    te_ref[...] = jnp.minimum(te, NE - 1)
    nu_ref[...] = jnp.broadcast_to(ct[0:1, NE - 1:NE], (8, 1))


_SC_MESH = plsc.VectorSubcoreMesh(core_axis_name="c", subcore_axis_name="s")


@functools.partial(
    pl.kernel,
    mesh=_SC_MESH,
    out_type=[
        jax.ShapeDtypeStruct((S,), jnp.float32),
        jax.ShapeDtypeStruct((S,), jnp.float32),
    ],
    scratch_types=[
        pltpu.VMEM((A,), jnp.int32),
        pltpu.VMEM((A,), jnp.float32),
        pltpu.VMEM((S,), jnp.float32),
        pltpu.VMEM((S,), jnp.float32),
    ],
    compiler_params=pltpu.CompilerParams(needs_layout_passes=False),
)
def _sc_dispatch(pos_hbm, wf_hbm, stok_hbm, sw_hbm, pos_v, wf_v, stok_v, sw_v):
    wid = jax.lax.axis_index("s") * 2 + jax.lax.axis_index("c")

    @pl.when(wid == 0)
    def _():
        pltpu.sync_copy(pos_hbm, pos_v)
        pltpu.sync_copy(wf_hbm, wf_v)
        z = jnp.zeros((16,), jnp.float32)

        def zero_body(j, carry):
            stok_v[pl.ds(j * 16, 16)] = z
            sw_v[pl.ds(j * 16, 16)] = z
            return carry

        jax.lax.fori_loop(0, S // 16, zero_body, 0)
        lane = jax.lax.broadcasted_iota(jnp.int32, (16,), 0)

        def scat_body(j, carry):
            a = j * 16 + lane
            idx = pos_v[pl.ds(j * 16, 16)]
            tok = jnp.bitwise_and(a, T - 1)
            plsc.store_scatter(stok_v, [idx], tok.astype(jnp.float32))
            plsc.store_scatter(sw_v, [idx], wf_v[pl.ds(j * 16, 16)])
            return carry

        jax.lax.fori_loop(0, A // 16, scat_body, 0)
        pltpu.sync_copy(stok_v, stok_hbm)
        pltpu.sync_copy(sw_v, sw_hbm)


def _main_kernel(te_ref, nu_ref, stok_ref, sw_ref, xb_ref, gu_ref, dp_ref,
                 out_ref):
    t = pl.program_id(0)

    @pl.when(t == 0)
    def _():
        out_ref[...] = jnp.zeros_like(out_ref)

    @pl.when(t < nu_ref[0])
    def _():
        stc = stok_ref[0].T
        cols = jax.lax.broadcasted_iota(jnp.int32, (BM, T), 1).astype(
            jnp.float32
        )
        G = jnp.where(stc == cols, 1.0, 0.0).astype(jnp.bfloat16)

        xg = jax.lax.dot_general(
            G, xb_ref[...], (((1,), (0,)), ((), ())),
            preferred_element_type=jnp.float32,
        )
        guw = gu_ref[0].astype(jnp.bfloat16)
        gu = jax.lax.dot_general(
            xg.astype(jnp.bfloat16), guw, (((1,), (1,)), ((), ())),
            preferred_element_type=jnp.float32,
        )
        g = gu[:, :I]
        u = gu[:, I:]
        h = (g * jax.lax.logistic(g)) * u
        dpw = dp_ref[0].astype(jnp.bfloat16)
        o = jax.lax.dot_general(
            h.astype(jnp.bfloat16), dpw, (((1,), (1,)), ((), ())),
            preferred_element_type=jnp.float32,
        )
        o = o * sw_ref[0].T
        toki = jax.lax.broadcasted_iota(jnp.int32, (T, BM), 0).astype(
            jnp.float32
        )
        Gt = jnp.where(stok_ref[0] == toki, 1.0, 0.0).astype(
            jnp.bfloat16
        )
        out_ref[...] += jax.lax.dot_general(
            Gt, o.astype(jnp.bfloat16), (((1,), (0,)), ((), ())),
            preferred_element_type=jnp.float32,
        )


def kernel(hidden_states, gate_w, gate_up_proj, down_proj):
    pos, wf, te, nu = pl.pallas_call(
        _prep_kernel,
        out_shape=[
            jax.ShapeDtypeStruct((A, 1), jnp.float32),
            jax.ShapeDtypeStruct((A, 1), jnp.float32),
            jax.ShapeDtypeStruct((128, 1), jnp.float32),
            jax.ShapeDtypeStruct((8, 1), jnp.float32),
        ],
        in_specs=[
            pl.BlockSpec((T, H), lambda: (0, 0)),
            pl.BlockSpec((NE, H), lambda: (0, 0)),
        ],
        out_specs=[
            pl.BlockSpec((A, 1), lambda: (0, 0)),
            pl.BlockSpec((A, 1), lambda: (0, 0)),
            pl.BlockSpec((128, 1), lambda: (0, 0)),
            pl.BlockSpec((8, 1), lambda: (0, 0)),
        ],
    )(hidden_states, gate_w)

    stok_f, sw_f = _sc_dispatch(
        pos.reshape(A).astype(jnp.int32), wf.reshape(A)
    )
    stok = stok_f.reshape(NT, 1, BM)
    sw = sw_f.reshape(NT, 1, BM)

    te_i32 = te.reshape(128).astype(jnp.int32)
    nu_i32 = nu.reshape(8)[:1].astype(jnp.int32)
    xb = hidden_states.astype(jnp.bfloat16)

    grid_spec = pltpu.PrefetchScalarGridSpec(
        num_scalar_prefetch=2,
        grid=(NT,),
        in_specs=[
            pl.BlockSpec((1, 1, BM), lambda t, te, nu: (t, 0, 0)),
            pl.BlockSpec((1, 1, BM), lambda t, te, nu: (t, 0, 0)),
            pl.BlockSpec((T, H), lambda t, te, nu: (0, 0)),
            pl.BlockSpec((1, 2 * I, H), lambda t, te, nu: (te[t], 0, 0)),
            pl.BlockSpec((1, H, I), lambda t, te, nu: (te[t], 0, 0)),
        ],
        out_specs=pl.BlockSpec((T, H), lambda t, te, nu: (0, 0)),
    )

    out = pl.pallas_call(
        _main_kernel,
        grid_spec=grid_spec,
        out_shape=jax.ShapeDtypeStruct((T, H), jnp.float32),
        compiler_params=pltpu.CompilerParams(
            dimension_semantics=("arbitrary",),
        ),
    )(te_i32, nu_i32, stok, sw, xb, gate_up_proj, down_proj)
    return out

# --- scband reference (transcript-rebuilt; emitter-appended) ---
"""Pipeline reference for scband-qwen3-moe-sparse-moe-block-67851893342706 (READ-ONLY COPY).

The authoritative reference and input builder live on the scoring server;
editing this copy changes nothing except your own understanding.
"""

import jax, jax.numpy as jnp
import numpy as np

NUM_EXPERTS = 64
TOP_K = 2
HIDDEN = 1024
MOE_INTER = 768
NORM_TOPK = True
NUM_TOKENS = 2048


def setup_inputs(seed: int = 0) -> dict:
    key = jax.random.key(seed)
    k1, k2, k3, k4 = jax.random.split(key, 4)
    hidden_states = jax.random.normal(k1, (NUM_TOKENS, HIDDEN), dtype=jnp.float32)
    gate_w = jax.random.normal(k2, (NUM_EXPERTS, HIDDEN), dtype=jnp.float32) * (HIDDEN ** -0.5)
    gate_up_proj = jax.random.normal(k3, (NUM_EXPERTS, 2 * MOE_INTER, HIDDEN), dtype=jnp.float32) * (HIDDEN ** -0.5)
    down_proj = jax.random.normal(k4, (NUM_EXPERTS, HIDDEN, MOE_INTER), dtype=jnp.float32) * (MOE_INTER ** -0.5)
    return {"hidden_states": hidden_states, "gate_w": gate_w, "gate_up_proj": gate_up_proj, "down_proj": down_proj}


def reference(hidden_states, gate_w, gate_up_proj, down_proj):
    # router (ReplicatedLinear, no bias)
    router_logits = hidden_states @ gate_w.T
    routing_weights_full = jax.nn.softmax(router_logits.astype(jnp.float32), axis=-1)
    routing_weights, selected_experts = jax.lax.top_k(routing_weights_full, TOP_K)
    if NORM_TOPK:
        routing_weights = routing_weights / jnp.sum(routing_weights, axis=-1, keepdims=True)
    routing_weights = routing_weights.astype(hidden_states.dtype)

    def body(expert_idx, final):
        match = selected_experts == expert_idx  # [num_tokens, top_k]
        weight = jnp.sum(jnp.where(match, routing_weights, jnp.zeros_like(routing_weights)), axis=-1)
        current_state = hidden_states
        gate_up_out = current_state @ gate_up_proj[expert_idx].T
        g, u = jnp.split(gate_up_out, 2, axis=-1)
        current_hidden = jax.nn.silu(g) * u
        current_hidden = current_hidden @ down_proj[expert_idx].T
        current_hidden = current_hidden * weight[:, None]
        return final + current_hidden.astype(hidden_states.dtype)

    final = jax.lax.fori_loop(0, NUM_EXPERTS, body, jnp.zeros_like(hidden_states))
    return final

if __name__ == "__main__":
    import jax
    _d = setup_inputs()
    print(jax.jit(kernel)(*tuple(_d.values())))

</pallas_src>

<mosaic_0001>
#map = affine_map<(d0, d1) -> (0)>
module attributes {stable_mosaic.version = 14 : i64} {
  func.func @_sc_dispatch(%arg0: i32, %arg1: i32, %arg2: memref<4096xi32, #tpu.memory_space<hbm>>, %arg3: memref<4096xf32, #tpu.memory_space<hbm>>, %arg4: memref<12288xf32, #tpu.memory_space<hbm>>, %arg5: memref<12288xf32, #tpu.memory_space<hbm>>, %arg6: memref<4096xi32, #tpu.memory_space<vmem>>, %arg7: memref<4096xf32, #tpu.memory_space<vmem>>, %arg8: memref<12288xf32, #tpu.memory_space<vmem>>, %arg9: memref<12288xf32, #tpu.memory_space<vmem>>) attributes {dimension_semantics = [#tpu.dimension_semantics<core_parallel>, #tpu.dimension_semantics<subcore_parallel>], iteration_bounds = array<i64: 2, 16>, scalar_prefetch = 0 : i64, scratch_operands = 4 : i64, tpu.core_type = #tpu.core_type<sc_vector_subcore>, window_params = [{transform_indices = #map}, {transform_indices = #map}, {transform_indices = #map}, {transform_indices = #map}]} {
    %mul3A = arith.constant 2 : i32
    %mul3A_0 = arith.muli %arg1, %mul3A : i32
    %add3A = arith.addi %mul3A_0, %arg0 : i32
    %eq3A = arith.constant 0 : i32
    %eq3A_1 = arith.cmpi eq, %add3A, %eq3A : i32
    %convert_element_type3A = arith.extui %eq3A_1 : i1 to i32
    %cond3A = arith.constant 0 : i32
    %cond3A_2 = arith.cmpi ne, %convert_element_type3A, %cond3A : i32
    scf.if %cond3A_2 {
      "tpu.region"() ({
        %run_scoped3A = tpu.sem_alloc : memref<!tpu.dma_semaphore, #tpu.memory_space<semaphore_mem>>
        tpu.enqueue_dma source(%arg2 : memref<4096xi32, #tpu.memory_space<hbm>>) target(%arg6 : memref<4096xi32, #tpu.memory_space<vmem>>) target_semaphore(%run_scoped3A : memref<!tpu.dma_semaphore, #tpu.memory_space<semaphore_mem>>)
        tpu.wait_dma2 semaphore(%run_scoped3A : memref<!tpu.dma_semaphore, #tpu.memory_space<semaphore_mem>>) src(%arg2 : memref<4096xi32, #tpu.memory_space<hbm>>) dst(%arg6 : memref<4096xi32, #tpu.memory_space<vmem>>)
        tpu.yield
      }) : () -> ()
      "tpu.region"() ({
        %run_scoped3A = tpu.sem_alloc : memref<!tpu.dma_semaphore, #tpu.memory_space<semaphore_mem>>
        tpu.enqueue_dma source(%arg3 : memref<4096xf32, #tpu.memory_space<hbm>>) target(%arg7 : memref<4096xf32, #tpu.memory_space<vmem>>) target_semaphore(%run_scoped3A : memref<!tpu.dma_semaphore, #tpu.memory_space<semaphore_mem>>)
        tpu.wait_dma2 semaphore(%run_scoped3A : memref<!tpu.dma_semaphore, #tpu.memory_space<semaphore_mem>>) src(%arg3 : memref<4096xf32, #tpu.memory_space<hbm>>) dst(%arg7 : memref<4096xf32, #tpu.memory_space<vmem>>)
        tpu.yield
      }) : () -> ()
      %broadcast_in_dim3A = arith.constant 0.000000e+00 : f32
      %broadcast_in_dim3A_3 = vector.broadcast %broadcast_in_dim3A : f32 to vector<16xf32>
      %scan3A = arith.constant 0 : i32
      %scan3A_4 = arith.constant 0 : i32
      %scan3A_5 = arith.constant 768 : i32
      %scan3A_6 = arith.addi %scan3A_4, %scan3A_5 : i32
      %scan3A_7 = arith.constant 1 : i32
      scf.for %scan3A_15 = %scan3A_4 to %scan3A_6 step %scan3A_7  : i32 {
        %mul3A_16 = arith.constant 16 : i32
        %mul3A_17 = arith.muli %scan3A_15, %mul3A_16 : i32
        %swap3A = arith.index_cast %mul3A_17 : i32 to index
        %swap3A_18 = tpu.vector_load %arg8[%swap3A] {strides = array<i32>} : memref<12288xf32, #tpu.memory_space<vmem>>, vector<16xf32>,
        tpu.vector_store %arg8[%swap3A], %broadcast_in_dim3A_3 {strides = array<i32>} : memref<12288xf32, #tpu.memory_space<vmem>>, vector<16xf32>,
        %mul3A_19 = arith.constant 16 : i32
        %mul3A_20 = arith.muli %scan3A_15, %mul3A_19 : i32
        %swap3A_21 = arith.index_cast %mul3A_20 : i32 to index
        %swap3A_22 = tpu.vector_load %arg9[%swap3A_21] {strides = array<i32>} : memref<12288xf32, #tpu.memory_space<vmem>>, vector<16xf32>,
        tpu.vector_store %arg9[%swap3A_21], %broadcast_in_dim3A_3 {strides = array<i32>} : memref<12288xf32, #tpu.memory_space<vmem>>, vector<16xf32>,
      }
      %scan3A_8 = arith.constant 768 : i32
      %iota3A = tpu.iota {dimensions = array<i32: 0>} : vector<16xi32>
      %scan3A_9 = arith.constant 0 : i32
      %scan3A_10 = arith.constant 0 : i32
      %scan3A_11 = arith.constant 256 : i32
      %scan3A_12 = arith.addi %scan3A_10, %scan3A_11 : i32
      %scan3A_13 = arith.constant 1 : i32
      scf.for %scan3A_15 = %scan3A_10 to %scan3A_12 step %scan3A_13  : i32 {
        %mul3A_16 = arith.constant 16 : i32
        %mul3A_17 = arith.muli %scan3A_15, %mul3A_16 : i32
        %add3A_18 = vector.broadcast %mul3A_17 : i32 to vector<16xi32>
        %add3A_19 = arith.addi %add3A_18, %iota3A : vector<16xi32>
        %mul3A_20 = arith.constant 16 : i32
        %mul3A_21 = arith.muli %scan3A_15, %mul3A_20 : i32
        %get3A = arith.index_cast %mul3A_21 : i32 to index
        %get3A_22 = tpu.vector_load %arg6[%get3A] {strides = array<i32>} : memref<4096xi32, #tpu.memory_space<vmem>>, vector<16xi32>,
        %and3A = arith.constant 2047 : i32
        %and3A_23 = vector.broadcast %and3A : i32 to vector<16xi32>
        %and3A_24 = arith.andi %add3A_19, %and3A_23 : vector<16xi32>
        %convert_element_type3A_25 = arith.sitofp %and3A_24 : vector<16xi32> to vector<16xf32>
        tpu.vector_store_idx %arg8[%get3A_22], %convert_element_type3A_25 : memref<12288xf32, #tpu.memory_space<vmem>>[vector<16xi32>], vector<16xf32>,
        %mul3A_26 = arith.constant 16 : i32
        %mul3A_27 = arith.muli %scan3A_15, %mul3A_26 : i32
        %get3A_28 = arith.index_cast %mul3A_27 : i32 to index
        %get3A_29 = tpu.vector_load %arg7[%get3A_28] {strides = array<i32>} : memref<4096xf32, #tpu.memory_space<vmem>>, vector<16xf32>,
        tpu.vector_store_idx %arg9[%get3A_22], %get3A_29 : memref<12288xf32, #tpu.memory_space<vmem>>[vector<16xi32>], vector<16xf32>,
      }
      %scan3A_14 = arith.constant 256 : i32
      "tpu.region"() ({
        %run_scoped3A = tpu.sem_alloc : memref<!tpu.dma_semaphore, #tpu.memory_space<semaphore_mem>>
        tpu.enqueue_dma source(%arg8 : memref<12288xf32, #tpu.memory_space<vmem>>) target(%arg4 : memref<12288xf32, #tpu.memory_space<hbm>>) target_semaphore(%run_scoped3A : memref<!tpu.dma_semaphore, #tpu.memory_space<semaphore_mem>>)
        tpu.wait_dma2 semaphore(%run_scoped3A : memref<!tpu.dma_semaphore, #tpu.memory_space<semaphore_mem>>) src(%arg8 : memref<12288xf32, #tpu.memory_space<vmem>>) dst(%arg4 : memref<12288xf32, #tpu.memory_space<hbm>>)
        tpu.yield
      }) : () -> ()
      "tpu.region"() ({
        %run_scoped3A = tpu.sem_alloc : memref<!tpu.dma_semaphore, #tpu.memory_space<semaphore_mem>>
        tpu.enqueue_dma source(%arg9 : memref<12288xf32, #tpu.memory_space<vmem>>) target(%arg5 : memref<12288xf32, #tpu.memory_space<hbm>>) target_semaphore(%run_scoped3A : memref<!tpu.dma_semaphore, #tpu.memory_space<semaphore_mem>>)
        tpu.wait_dma2 semaphore(%run_scoped3A : memref<!tpu.dma_semaphore, #tpu.memory_space<semaphore_mem>>) src(%arg9 : memref<12288xf32, #tpu.memory_space<vmem>>) dst(%arg5 : memref<12288xf32, #tpu.memory_space<hbm>>)
        tpu.yield
      }) : () -> ()
    } else {
    }
    return
  }
}

module attributes {stable_mosaic.version = 14 : i64} {
  func.func @_prep_kernel(%arg0: memref<2048x1024xf32, #tpu.memory_space<vmem>>, %arg1: memref<64x1024xf32, #tpu.memory_space<vmem>>, %arg2: memref<4096x1xf32, #tpu.memory_space<vmem>>, %arg3: memref<4096x1xf32, #tpu.memory_space<vmem>>, %arg4: memref<128x1xf32, #tpu.memory_space<vmem>>, %arg5: memref<8x1xf32, #tpu.memory_space<vmem>>) attributes {dimension_semantics = [], scalar_prefetch = 0 : i64, scratch_operands = 0 : i64, tpu.core_type = #tpu.core_type<tc>} {
    %get3A = arith.constant 0 : index
    %get3A_0 = arith.constant 0 : index
    %get3A_1 = vector.load %arg0[%get3A, %get3A_0] : memref<2048x1024xf32, #tpu.memory_space<vmem>>, vector<2048x1024xf32>
    %get3A_2 = arith.constant 0 : index
    %get3A_3 = arith.constant 0 : index
    %get3A_4 = vector.load %arg1[%get3A_2, %get3A_3] : memref<64x1024xf32, #tpu.memory_space<vmem>>, vector<64x1024xf32>
    %dot_general3A = arith.constant dense<0.000000e+00> : vector<2048x64xf32>
    %dot_general3A_5 = tpu.matmul %get3A_1, %get3A_4, %dot_general3A {dimension_numbers = #tpu.dot_dimension_numbers<[1], [1], [0], [0], [0, 0, 1, 0], [], []>, transpose_lhs_hint = false} : vector<2048x1024xf32>, vector<64x1024xf32>, vector<2048x64xf32> -> vector<2048x64xf32>
    %reduce_max3A = arith.constant dense<0xFF800000> : vector<2048xf32>
    %reduce_max3A_6 = vector.multi_reduction <maximumf>, %dot_general3A_5, %reduce_max3A [1] : vector<2048x64xf32> to vector<2048xf32>
    %broadcast_in_dim3A = vector.shape_cast %reduce_max3A_6 : vector<2048xf32> to vector<2048x1xf32>
    %sub3A = vector.broadcast %broadcast_in_dim3A : vector<2048x1xf32> to vector<2048x64xf32>
    %sub3A_7 = arith.subf %dot_general3A_5, %sub3A : vector<2048x64xf32>
    %exp3A = math.exp %sub3A_7 : vector<2048x64xf32>
    %reduce_sum3A = arith.constant dense<0.000000e+00> : vector<2048xf32>
    %reduce_sum3A_8 = vector.multi_reduction <add>, %exp3A, %reduce_sum3A [1] : vector<2048x64xf32> to vector<2048xf32>
    %broadcast_in_dim3A_9 = vector.shape_cast %reduce_sum3A_8 : vector<2048xf32> to vector<2048x1xf32>
    %div3A = vector.broadcast %broadcast_in_dim3A_9 : vector<2048x1xf32> to vector<2048x64xf32>
    %div3A_10 = arith.divf %exp3A, %div3A : vector<2048x64xf32>
    %iota3A = tpu.iota {dimensions = array<i32: 1>} : vector<2048x64xi32>
    %reduce_max3A_11 = arith.constant dense<0xFF800000> : vector<2048xf32>
    %reduce_max3A_12 = vector.multi_reduction <maximumf>, %div3A_10, %reduce_max3A_11 [1] : vector<2048x64xf32> to vector<2048xf32>
    %broadcast_in_dim3A_13 = vector.shape_cast %reduce_max3A_12 : vector<2048xf32> to vector<2048x1xf32>
    %eq3A = vector.broadcast %broadcast_in_dim3A_13 : vector<2048x1xf32> to vector<2048x64xf32>
    %eq3A_14 = arith.cmpf oeq, %div3A_10, %eq3A : vector<2048x64xf32>
    %jit3A = arith.constant 64 : i32
    %broadcast_in_dim3A_15 = vector.broadcast %jit3A : i32 to vector<2048x64xi32>
    %select_n3A = arith.select %eq3A_14, %iota3A, %broadcast_in_dim3A_15 : vector<2048x64xi1>, vector<2048x64xi32>
    %reduce_min3A = arith.constant dense<2147483647> : vector<2048xi32>
    %reduce_min3A_16 = vector.multi_reduction <minsi>, %select_n3A, %reduce_min3A [1] : vector<2048x64xi32> to vector<2048xi32>
    %broadcast_in_dim3A_17 = vector.shape_cast %reduce_min3A_16 : vector<2048xi32> to vector<2048x1xi32>
    %eq3A_18 = vector.broadcast %broadcast_in_dim3A_17 : vector<2048x1xi32> to vector<2048x64xi32>
    %eq3A_19 = arith.cmpi eq, %iota3A, %eq3A_18 : vector<2048x64xi32>
    %jit3A_20 = arith.constant -1.000000e+00 : f32
    %broadcast_in_dim3A_21 = vector.broadcast %jit3A_20 : f32 to vector<2048x64xf32>
    %select_n3A_22 = arith.select %eq3A_19, %broadcast_in_dim3A_21, %div3A_10 : vector<2048x64xi1>, vector<2048x64xf32>
    %reduce_max3A_23 = arith.constant dense<0xFF800000> : vector<2048xf32>
    %reduce_max3A_24 = vector.multi_reduction <maximumf>, %select_n3A_22, %reduce_max3A_23 [1] : vector<2048x64xf32> to vector<2048xf32>
    %broadcast_in_dim3A_25 = vector.shape_cast %reduce_max3A_24 : vector<2048xf32> to vector<2048x1xf32>
    %eq3A_26 = vector.broadcast %broadcast_in_dim3A_25 : vector<2048x1xf32> to vector<2048x64xf32>
    %eq3A_27 = arith.cmpf oeq, %select_n3A_22, %eq3A_26 : vector<2048x64xf32>
    %jit3A_28 = arith.constant 64 : i32
    %broadcast_in_dim3A_29 = vector.broadcast %jit3A_28 : i32 to vector<2048x64xi32>
    %select_n3A_30 = arith.select %eq3A_27, %iota3A, %broadcast_in_dim3A_29 : vector<2048x64xi1>, vector<2048x64xi32>
    %reduce_min3A_31 = arith.constant dense<2147483647> : vector<2048xi32>
    %reduce_min3A_32 = vector.multi_reduction <minsi>, %select_n3A_30, %reduce_min3A_31 [1] : vector<2048x64xi32> to vector<2048xi32>
    %broadcast_in_dim3A_33 = vector.shape_cast %reduce_min3A_32 : vector<2048xi32> to vector<2048x1xi32>
    %eq3A_34 = vector.broadcast %broadcast_in_dim3A_33 : vector<2048x1xi32> to vector<2048x64xi32>
    %eq3A_35 = arith.cmpi eq, %iota3A, %eq3A_34 : vector<2048x64xi32>
    %add3A = arith.addf %broadcast_in_dim3A_13, %broadcast_in_dim3A_25 : vector<2048x1xf32>
    %concatenate3A = tpu.concatenate %eq3A_19, %eq3A_35 in 0 : vector<2048x64xi1>, vector<2048x64xi1> -> vector<4096x64xi1>
    %convert_element_type3A = arith.extui %concatenate3A : vector<4096x64xi1> to vector<4096x64xi32>
    %convert_element_type3A_36 = arith.sitofp %convert_element_type3A : vector<4096x64xi32> to vector<4096x64xf32>
    %div3A_37 = arith.divf %broadcast_in_dim3A_13, %add3A : vector<2048x1xf32>
    %div3A_38 = arith.divf %broadcast_in_dim3A_25, %add3A : vector<2048x1xf32>
    %concatenate3A_39 = tpu.concatenate %div3A_37, %div3A_38 in 0 : vector<2048x1xf32>, vector<2048x1xf32> -> vector<4096x1xf32>
    %broadcast_in_dim3A_40 = arith.constant 0.000000e+00 : f32
    %broadcast_in_dim3A_41 = vector.broadcast %broadcast_in_dim3A_40 : f32 to vector<1x64xf32>
    %slice3A = vector.extract_strided_slice %convert_element_type3A_36 {offsets = [0, 0], sizes = [4095, 64], strides = [1, 1]} : vector<4096x64xf32> to vector<4095x64xf32>
    %concatenate3A_42 = tpu.concatenate %broadcast_in_dim3A_41, %slice3A in 0 : vector<1x64xf32>, vector<4095x64xf32> -> vector<4096x64xf32>
    %add3A_43 = arith.addf %convert_element_type3A_36, %concatenate3A_42 : vector<4096x64xf32>
    %broadcast_in_dim3A_44 = arith.constant 0.000000e+00 : f32
    %broadcast_in_dim3A_45 = vector.broadcast %broadcast_in_dim3A_44 : f32 to vector<2x64xf32>
    %slice3A_46 = vector.extract_strided_slice %add3A_43 {offsets = [0, 0], sizes = [4094, 64], strides = [1, 1]} : vector<4096x64xf32> to vector<4094x64xf32>
    %concatenate3A_47 = tpu.concatenate %broadcast_in_dim3A_45, %slice3A_46 in 0 : vector<2x64xf32>, vector<4094x64xf32> -> vector<4096x64xf32>
    %add3A_48 = arith.addf %add3A_43, %concatenate3A_47 : vector<4096x64xf32>
    %broadcast_in_dim3A_49 = arith.constant 0.000000e+00 : f32
    %broadcast_in_dim3A_50 = vector.broadcast %broadcast_in_dim3A_49 : f32 to vector<4x64xf32>
    %slice3A_51 = vector.extract_strided_slice %add3A_48 {offsets = [0, 0], sizes = [4092, 64], strides = [1, 1]} : vector<4096x64xf32> to vector<4092x64xf32>
    %concatenate3A_52 = tpu.concatenate %broadcast_in_dim3A_50, %slice3A_51 in 0 : vector<4x64xf32>, vector<4092x64xf32> -> vector<4096x64xf32>
    %add3A_53 = arith.addf %add3A_48, %concatenate3A_52 : vector<4096x64xf32>
    %broadcast_in_dim3A_54 = arith.constant 0.000000e+00 : f32
    %broadcast_in_dim3A_55 = vector.broadcast %broadcast_in_dim3A_54 : f32 to vector<8x64xf32>
    %slice3A_56 = vector.extract_strided_slice %add3A_53 {offsets = [0, 0], sizes = [4088, 64], strides = [1, 1]} : vector<4096x64xf32> to vector<4088x64xf32>
    %concatenate3A_57 = tpu.concatenate %broadcast_in_dim3A_55, %slice3A_56 in 0 : vector<8x64xf32>, vector<4088x64xf32> -> vector<4096x64xf32>
    %add3A_58 = arith.addf %add3A_53, %concatenate3A_57 : vector<4096x64xf32>
    %broadcast_in_dim3A_59 = arith.constant 0.000000e+00 : f32
    %broadcast_in_dim3A_60 = vector.broadcast %broadcast_in_dim3A_59 : f32 to vector<16x64xf32>
    %slice3A_61 = vector.extract_strided_slice %add3A_58 {offsets = [0, 0], sizes = [4080, 64], strides = [1, 1]} : vector<4096x64xf32> to vector<4080x64xf32>
    %concatenate3A_62 = tpu.concatenate %broadcast_in_dim3A_60, %slice3A_61 in 0 : vector<16x64xf32>, vector<4080x64xf32> -> vector<4096x64xf32>
    %add3A_63 = arith.addf %add3A_58, %concatenate3A_62 : vector<4096x64xf32>
    %broadcast_in_dim3A_64 = arith.constant 0.000000e+00 : f32
    %broadcast_in_dim3A_65 = vector.broadcast %broadcast_in_dim3A_64 : f32 to vector<32x64xf32>
    %slice3A_66 = vector.extract_strided_slice %add3A_63 {offsets = [0, 0], sizes = [4064, 64], strides = [1, 1]} : vector<4096x64xf32> to vector<4064x64xf32>
    %concatenate3A_67 = tpu.concatenate %broadcast_in_dim3A_65, %slice3A_66 in 0 : vector<32x64xf32>, vector<4064x64xf32> -> vector<4096x64xf32>
    %add3A_68 = arith.addf %add3A_63, %concatenate3A_67 : vector<4096x64xf32>
    %broadcast_in_dim3A_69 = arith.constant 0.000000e+00 : f32
    %broadcast_in_dim3A_70 = vector.broadcast %broadcast_in_dim3A_69 : f32 to vector<64x64xf32>
    %slice3A_71 = vector.extract_strided_slice %add3A_68 {offsets = [0, 0], sizes = [4032, 64], strides = [1, 1]} : vector<4096x64xf32> to vector<4032x64xf32>
    %concatenate3A_72 = tpu.concatenate %broadcast_in_dim3A_70, %slice3A_71 in 0 : vector<64x64xf32>, vector<4032x64xf32> -> vector<4096x64xf32>
    %add3A_73 = arith.addf %add3A_68, %concatenate3A_72 : vector<4096x64xf32>
    %broadcast_in_dim3A_74 = arith.constant 0.000000e+00 : f32
    %broadcast_in_dim3A_75 = vector.broadcast %broadcast_in_dim3A_74 : f32 to vector<128x64xf32>
    %slice3A_76 = vector.extract_strided_slice %add3A_73 {offsets = [0, 0], sizes = [3968, 64], strides = [1, 1]} : vector<4096x64xf32> to vector<3968x64xf32>
    %concatenate3A_77 = tpu.concatenate %broadcast_in_dim3A_75, %slice3A_76 in 0 : vector<128x64xf32>, vector<3968x64xf32> -> vector<4096x64xf32>
    %add3A_78 = arith.addf %add3A_73, %concatenate3A_77 : vector<4096x64xf32>
    %broadcast_in_dim3A_79 = arith.constant 0.000000e+00 : f32
    %broadcast_in_dim3A_80 = vector.broadcast %broadcast_in_dim3A_79 : f32 to vector<256x64xf32>
    %slice3A_81 = vector.extract_strided_slice %add3A_78 {offsets = [0, 0], sizes = [3840, 64], strides = [1, 1]} : vector<4096x64xf32> to vector<3840x64xf32>
    %concatenate3A_82 = tpu.concatenate %broadcast_in_dim3A_80, %slice3A_81 in 0 : vector<256x64xf32>, vector<3840x64xf32> -> vector<4096x64xf32>
    %add3A_83 = arith.addf %add3A_78, %concatenate3A_82 : vector<4096x64xf32>
    %broadcast_in_dim3A_84 = arith.constant 0.000000e+00 : f32
    %broadcast_in_dim3A_85 = vector.broadcast %broadcast_in_dim3A_84 : f32 to vector<512x64xf32>
    %slice3A_86 = vector.extract_strided_slice %add3A_83 {offsets = [0, 0], sizes = [3584, 64], strides = [1, 1]} : vector<4096x64xf32> to vector<3584x64xf32>
    %concatenate3A_87 = tpu.concatenate %broadcast_in_dim3A_85, %slice3A_86 in 0 : vector<512x64xf32>, vector<3584x64xf32> -> vector<4096x64xf32>
    %add3A_88 = arith.addf %add3A_83, %concatenate3A_87 : vector<4096x64xf32>
    %broadcast_in_dim3A_89 = arith.constant 0.000000e+00 : f32
    %broadcast_in_dim3A_90 = vector.broadcast %broadcast_in_dim3A_89 : f32 to vector<1024x64xf32>
    %slice3A_91 = vector.extract_strided_slice %add3A_88 {offsets = [0, 0], sizes = [3072, 64], strides = [1, 1]} : vector<4096x64xf32> to vector<3072x64xf32>
    %concatenate3A_92 = tpu.concatenate %broadcast_in_dim3A_90, %slice3A_91 in 0 : vector<1024x64xf32>, vector<3072x64xf32> -> vector<4096x64xf32>
    %add3A_93 = arith.addf %add3A_88, %concatenate3A_92 : vector<4096x64xf32>
    %broadcast_in_dim3A_94 = arith.constant 0.000000e+00 : f32
    %broadcast_in_dim3A_95 = vector.broadcast %broadcast_in_dim3A_94 : f32 to vector<2048x64xf32>
    %slice3A_96 = vector.extract_strided_slice %add3A_93 {offsets = [0, 0], sizes = [2048, 64], strides = [1, 1]} : vector<4096x64xf32> to vector<2048x64xf32>
    %concatenate3A_97 = tpu.concatenate %broadcast_in_dim3A_95, %slice3A_96 in 0 : vector<2048x64xf32>, vector<2048x64xf32> -> vector<4096x64xf32>
    %add3A_98 = arith.addf %add3A_93, %concatenate3A_97 : vector<4096x64xf32>
    %sub3A_99 = arith.subf %add3A_98, %convert_element_type3A_36 : vector<4096x64xf32>
    %slice3A_100 = vector.extract_strided_slice %add3A_98 {offsets = [4095, 0], sizes = [1, 64], strides = [1, 1]} : vector<4096x64xf32> to vector<1x64xf32>
    %div3A_101 = arith.constant 1.280000e+02 : f32
    %div3A_102 = vector.broadcast %div3A_101 : f32 to vector<1x64xf32>
    %div3A_103 = arith.divf %slice3A_100, %div3A_102 : vector<1x64xf32>
    %ceil3A = math.ceil %div3A_103 : vector<1x64xf32>
    %broadcast_in_dim3A_104 = arith.constant 0.000000e+00 : f32
    %broadcast_in_dim3A_105 = vector.broadcast %broadcast_in_dim3A_104 : f32 to vector<1x1xf32>
    %slice3A_106 = vector.extract_strided_slice %ceil3A {offsets = [0, 0], sizes = [1, 63], strides = [1, 1]} : vector<1x64xf32> to vector<1x63xf32>
    %concatenate3A_107 = tpu.concatenate %broadcast_in_dim3A_105, %slice3A_106 in 1 : vector<1x1xf32>, vector<1x63xf32> -> vector<1x64xf32>
    %add3A_108 = arith.addf %ceil3A, %concatenate3A_107 : vector<1x64xf32>
    %broadcast_in_dim3A_109 = arith.constant 0.000000e+00 : f32
    %broadcast_in_dim3A_110 = vector.broadcast %broadcast_in_dim3A_109 : f32 to vector<1x2xf32>
    %slice3A_111 = vector.extract_strided_slice %add3A_108 {offsets = [0, 0], sizes = [1, 62], strides = [1, 1]} : vector<1x64xf32> to vector<1x62xf32>
    %concatenate3A_112 = tpu.concatenate %broadcast_in_dim3A_110, %slice3A_111 in 1 : vector<1x2xf32>, vector<1x62xf32> -> vector<1x64xf32>
    %add3A_113 = arith.addf %add3A_108, %concatenate3A_112 : vector<1x64xf32>
    %broadcast_in_dim3A_114 = arith.constant 0.000000e+00 : f32
    %broadcast_in_dim3A_115 = vector.broadcast %broadcast_in_dim3A_114 : f32 to vector<1x4xf32>
    %slice3A_116 = vector.extract_strided_slice %add3A_113 {offsets = [0, 0], sizes = [1, 60], strides = [1, 1]} : vector<1x64xf32> to vector<1x60xf32>
    %concatenate3A_117 = tpu.concatenate %broadcast_in_dim3A_115, %slice3A_116 in 1 : vector<1x4xf32>, vector<1x60xf32> -> vector<1x64xf32>
    %add3A_118 = arith.addf %add3A_113, %concatenate3A_117 : vector<1x64xf32>
    %broadcast_in_dim3A_119 = arith.constant 0.000000e+00 : f32
    %broadcast_in_dim3A_120 = vector.broadcast %broadcast_in_dim3A_119 : f32 to vector<1x8xf32>
    %slice3A_121 = vector.extract_strided_slice %add3A_118 {offsets = [0, 0], sizes = [1, 56], strides = [1, 1]} : vector<1x64xf32> to vector<1x56xf32>
    %concatenate3A_122 = tpu.concatenate %broadcast_in_dim3A_120, %slice3A_121 in 1 : vector<1x8xf32>, vector<1x56xf32> -> vector<1x64xf32>
    %add3A_123 = arith.addf %add3A_118, %concatenate3A_122 : vector<1x64xf32>
    %broadcast_in_dim3A_124 = arith.constant 0.000000e+00 : f32
    %broadcast_in_dim3A_125 = vector.broadcast %broadcast_in_dim3A_124 : f32 to vector<1x16xf32>
    %slice3A_126 = vector.extract_strided_slice %add3A_123 {offsets = [0, 0], sizes = [1, 48], strides = [1, 1]} : vector<1x64xf32> to vector<1x48xf32>
    %concatenate3A_127 = tpu.concatenate %broadcast_in_dim3A_125, %slice3A_126 in 1 : vector<1x16xf32>, vector<1x48xf32> -> vector<1x64xf32>
    %add3A_128 = arith.addf %add3A_123, %concatenate3A_127 : vector<1x64xf32>
    %broadcast_in_dim3A_129 = arith.constant 0.000000e+00 : f32
    %broadcast_in_dim3A_130 = vector.broadcast %broadcast_in_dim3A_129 : f32 to vector<1x32xf32>
    %slice3A_131 = vector.extract_strided_slice %add3A_128 {offsets = [0, 0], sizes = [1, 32], strides = [1, 1]} : vector<1x64xf32> to vector<1x32xf32>
    %concatenate3A_132 = tpu.concatenate %broadcast_in_dim3A_130, %slice3A_131 in 1 : vector<1x32xf32>, vector<1x32xf32> -> vector<1x64xf32>
    %add3A_133 = arith.addf %add3A_128, %concatenate3A_132 : vector<1x64xf32>
    %sub3A_134 = arith.subf %add3A_133, %ceil3A : vector<1x64xf32>
    %mul3A = arith.constant 1.280000e+02 : f32
    %mul3A_135 = vector.broadcast %mul3A : f32 to vector<1x64xf32>
    %mul3A_136 = arith.mulf %sub3A_134, %mul3A_135 : vector<1x64xf32>
    %add3A_137 = vector.broadcast %mul3A_136 : vector<1x64xf32> to vector<4096x64xf32>
    %add3A_138 = arith.addf %sub3A_99, %add3A_137 : vector<4096x64xf32>
    %mul3A_139 = arith.mulf %convert_element_type3A_36, %add3A_138 : vector<4096x64xf32>
    %reduce_sum3A_140 = arith.constant dense<0.000000e+00> : vector<4096xf32>
    %reduce_sum3A_141 = vector.multi_reduction <add>, %mul3A_139, %reduce_sum3A_140 [1] : vector<4096x64xf32> to vector<4096xf32>
    %broadcast_in_dim3A_142 = vector.shape_cast %reduce_sum3A_141 : vector<4096xf32> to vector<4096x1xf32>
    %swap3A = arith.constant 0 : index
    %swap3A_143 = arith.constant 0 : index
    %swap3A_144 = vector.load %arg2[%swap3A, %swap3A_143] : memref<4096x1xf32, #tpu.memory_space<vmem>>, vector<4096x1xf32>
    tpu.vector_store %arg2[%swap3A, %swap3A_143], %broadcast_in_dim3A_142 {strides = array<i32>} : memref<4096x1xf32, #tpu.memory_space<vmem>>, vector<4096x1xf32>,
    %swap3A_145 = arith.constant 0 : index
    %swap3A_146 = arith.constant 0 : index
    %swap3A_147 = vector.load %arg3[%swap3A_145, %swap3A_146] : memref<4096x1xf32, #tpu.memory_space<vmem>>, vector<4096x1xf32>
    tpu.vector_store %arg3[%swap3A_145, %swap3A_146], %concatenate3A_39 {strides = array<i32>} : memref<4096x1xf32, #tpu.memory_space<vmem>>, vector<4096x1xf32>,
    %iota3A_148 = tpu.iota {dimensions = array<i32: 0>} : vector<128x64xi32>
    %convert_element_type3A_149 = arith.sitofp %iota3A_148 : vector<128x64xi32> to vector<128x64xf32>
    %le3A = vector.broadcast %add3A_133 : vector<1x64xf32> to vector<128x64xf32>
    %le3A_150 = arith.cmpf ole, %le3A, %convert_element_type3A_149 : vector<128x64xf32>
    %jit3A_151 = arith.constant 1.000000e+00 : f32
    %jit3A_152 = arith.constant 0.000000e+00 : f32
    %broadcast_in_dim3A_153 = vector.broadcast %jit3A_151 : f32 to vector<128x64xf32>
    %broadcast_in_dim3A_154 = vector.broadcast %jit3A_152 : f32 to vector<128x64xf32>
    %select_n3A_155 = arith.select %le3A_150, %broadcast_in_dim3A_153, %broadcast_in_dim3A_154 : vector<128x64xi1>, vector<128x64xf32>
    %reduce_sum3A_156 = arith.constant dense<0.000000e+00> : vector<128xf32>
    %reduce_sum3A_157 = vector.multi_reduction <add>, %select_n3A_155, %reduce_sum3A_156 [1] : vector<128x64xf32> to vector<128xf32>
    %broadcast_in_dim3A_158 = vector.shape_cast %reduce_sum3A_157 : vector<128xf32> to vector<128x1xf32>
    %min3A = arith.constant 6.300000e+01 : f32
    %min3A_159 = vector.broadcast %min3A : f32 to vector<128x1xf32>
    %min3A_160 = arith.minimumf %broadcast_in_dim3A_158, %min3A_159 : vector<128x1xf32>
    %swap3A_161 = arith.constant 0 : index
    %swap3A_162 = arith.constant 0 : index
    %swap3A_163 = vector.load %arg4[%swap3A_161, %swap3A_162] : memref<128x1xf32, #tpu.memory_space<vmem>>, vector<128x1xf32>
    tpu.vector_store %arg4[%swap3A_161, %swap3A_162], %min3A_160 {strides = array<i32>} : memref<128x1xf32, #tpu.memory_space<vmem>>, vector<128x1xf32>,
    %slice3A_164 = vector.extract_strided_slice %add3A_133 {offsets = [0, 63], sizes = [1, 1], strides = [1, 1]} : vector<1x64xf32> to vector<1x1xf32>
    %broadcast_in_dim3A_165 = vector.shape_cast %slice3A_164 : vector<1x1xf32> to vector<1x1xf32>
    %broadcast_in_dim3A_166 = vector.broadcast %broadcast_in_dim3A_165 : vector<1x1xf32> to vector<8x1xf32>
    %swap3A_167 = arith.constant 0 : index
    %swap3A_168 = arith.constant 0 : index
    %swap3A_169 = vector.load %arg5[%swap3A_167, %swap3A_168] : memref<8x1xf32, #tpu.memory_space<vmem>>, vector<8x1xf32>
    tpu.vector_store %arg5[%swap3A_167, %swap3A_168], %broadcast_in_dim3A_166 {strides = array<i32>} : memref<8x1xf32, #tpu.memory_space<vmem>>, vector<8x1xf32>,
    return
  }
}

module attributes {stable_mosaic.version = 14 : i64} {
  func.func @_main_kernel(%arg0: i32, %arg1: memref<128xi32, #tpu.memory_space<smem>>, %arg2: memref<1xi32, #tpu.memory_space<smem>>, %arg3: memref<1x1x128xf32, #tpu.memory_space<vmem>>, %arg4: memref<1x1x128xf32, #tpu.memory_space<vmem>>, %arg5: memref<2048x1024xbf16, #tpu.memory_space<vmem>>, %arg6: memref<1x1536x1024xf32, #tpu.memory_space<vmem>>, %arg7: memref<1x1024x768xf32, #tpu.memory_space<vmem>>, %arg8: memref<2048x1024xf32, #tpu.memory_space<vmem>>) attributes {dimension_semantics = [#tpu.dimension_semantics<arbitrary>], iteration_bounds = array<i64: 96>, scalar_prefetch = 2 : i64, scratch_operands = 0 : i64, tpu.core_type = #tpu.core_type<tc>, window_params = [{transform_indices = @transform_0, window_bounds = array<i64: 1, 1, 128>}, {transform_indices = @transform_1, window_bounds = array<i64: 1, 1, 128>}, {pipeline_mode = #tpu.pipeline_mode<synchronous>, transform_indices = @transform_2, window_bounds = array<i64: 2048, 1024>}, {transform_indices = @transform_3, window_bounds = array<i64: 1, 1536, 1024>}, {transform_indices = @transform_4, window_bounds = array<i64: 1, 1024, 768>}, {pipeline_mode = #tpu.pipeline_mode<synchronous>, transform_indices = @transform_5, window_bounds = array<i64: 2048, 1024>}]} {
    %eq3A = arith.constant 0 : i32
    %eq3A_0 = arith.cmpi eq, %arg0, %eq3A : i32
    %convert_element_type3A = arith.extui %eq3A_0 : i1 to i32
    %cond3A = arith.constant 0 : i32
    %cond3A_1 = arith.cmpi ne, %convert_element_type3A, %cond3A : i32
    scf.if %cond3A_1 {
      %broadcast_in_dim3A = arith.constant 0.000000e+00 : f32
      %broadcast_in_dim3A_6 = vector.broadcast %broadcast_in_dim3A : f32 to vector<2048x1024xf32>
      %swap3A = arith.constant 0 : index
      %swap3A_7 = arith.constant 0 : index
      %swap3A_8 = vector.load %arg8[%swap3A, %swap3A_7] : memref<2048x1024xf32, #tpu.memory_space<vmem>>, vector<2048x1024xf32>
      tpu.vector_store %arg8[%swap3A, %swap3A_7], %broadcast_in_dim3A_6 {strides = array<i32>} : memref<2048x1024xf32, #tpu.memory_space<vmem>>, vector<2048x1024xf32>,
    } else {
    }
    %get3A = arith.constant 0 : index
    %get3A_2 = memref.load %arg2[%get3A] : memref<1xi32, #tpu.memory_space<smem>>
    %lt3A = arith.cmpi slt, %arg0, %get3A_2 : i32
    %convert_element_type3A_3 = arith.extui %lt3A : i1 to i32
    %cond3A_4 = arith.constant 0 : i32
    %cond3A_5 = arith.cmpi ne, %convert_element_type3A_3, %cond3A_4 : i32
    scf.if %cond3A_5 {
      %get3A_6 = arith.constant 0 : index
      %get3A_7 = arith.constant 0 : index
      %get3A_8 = arith.constant 0 : index
      %get3A_9 = vector.load %arg3[%get3A_6, %get3A_7, %get3A_8] : memref<1x1x128xf32, #tpu.memory_space<vmem>>, vector<1x1x128xf32>
      %get3A_10 = vector.shape_cast %get3A_9 : vector<1x1x128xf32> to vector<1x128xf32>
      %transpose3A = tpu.transpose %get3A_10, [1, 0] : vector<1x128xf32> -> vector<128x1xf32>
      %iota3A = tpu.iota {dimensions = array<i32: 1>} : vector<128x2048xi32>
      %convert_element_type3A_11 = arith.sitofp %iota3A : vector<128x2048xi32> to vector<128x2048xf32>
      %eq3A_12 = vector.broadcast %transpose3A : vector<128x1xf32> to vector<128x2048xf32>
      %eq3A_13 = arith.cmpf oeq, %eq3A_12, %convert_element_type3A_11 : vector<128x2048xf32>
      %jit3A = arith.constant 1.000000e+00 : f32
      %jit3A_14 = arith.constant 0.000000e+00 : f32
      %broadcast_in_dim3A = vector.broadcast %jit3A : f32 to vector<128x2048xf32>
      %broadcast_in_dim3A_15 = vector.broadcast %jit3A_14 : f32 to vector<128x2048xf32>
      %select_n3A = arith.select %eq3A_13, %broadcast_in_dim3A, %broadcast_in_dim3A_15 : vector<128x2048xi1>, vector<128x2048xf32>
      %convert_element_type3A_16 = arith.truncf %select_n3A : vector<128x2048xf32> to vector<128x2048xbf16>
      %get3A_17 = arith.constant 0 : index
      %get3A_18 = arith.constant 0 : index
      %get3A_19 = vector.load %arg5[%get3A_17, %get3A_18] : memref<2048x1024xbf16, #tpu.memory_space<vmem>>, vector<2048x1024xbf16>
      %dot_general3A = arith.constant dense<0.000000e+00> : vector<128x1024xf32>
      %dot_general3A_20 = tpu.matmul %convert_element_type3A_16, %get3A_19, %dot_general3A {dimension_numbers = #tpu.dot_dimension_numbers<[1], [0], [0], [1], [0, 0, 1, 1], [], []>, transpose_lhs_hint = false} : vector<128x2048xbf16>, vector<2048x1024xbf16>, vector<128x1024xf32> -> vector<128x1024xf32>
      %get3A_21 = arith.constant 0 : index
      %get3A_22 = arith.constant 0 : index
      %get3A_23 = arith.constant 0 : index
      %get3A_24 = vector.load %arg6[%get3A_21, %get3A_22, %get3A_23] : memref<1x1536x1024xf32, #tpu.memory_space<vmem>>, vector<1x1536x1024xf32>
      %get3A_25 = vector.shape_cast %get3A_24 : vector<1x1536x1024xf32> to vector<1536x1024xf32>
      %convert_element_type3A_26 = arith.truncf %get3A_25 : vector<1536x1024xf32> to vector<1536x1024xbf16>
      %convert_element_type3A_27 = arith.truncf %dot_general3A_20 : vector<128x1024xf32> to vector<128x1024xbf16>
      %dot_general3A_28 = arith.constant dense<0.000000e+00> : vector<128x1536xf32>
      %dot_general3A_29 = tpu.matmul %convert_element_type3A_27, %convert_element_type3A_26, %dot_general3A_28 {dimension_numbers = #tpu.dot_dimension_numbers<[1], [1], [0], [0], [0, 0, 1, 0], [], []>, transpose_lhs_hint = false} : vector<128x1024xbf16>, vector<1536x1024xbf16>, vector<128x1536xf32> -> vector<128x1536xf32>
      %slice3A = vector.extract_strided_slice %dot_general3A_29 {offsets = [0, 0], sizes = [128, 768], strides = [1, 1]} : vector<128x1536xf32> to vector<128x768xf32>
      %slice3A_30 = vector.extract_strided_slice %dot_general3A_29 {offsets = [0, 768], sizes = [128, 768], strides = [1, 1]} : vector<128x1536xf32> to vector<128x768xf32>
      %logistic3A = arith.negf %slice3A : vector<128x768xf32>
      %logistic3A_31 = math.exp %logistic3A : vector<128x768xf32>
      %logistic3A_32 = arith.constant 1.000000e+00 : f32
      %logistic3A_33 = vector.broadcast %logistic3A_32 : f32 to vector<128x768xf32>
      %logistic3A_34 = arith.addf %logistic3A_33, %logistic3A_31 : vector<128x768xf32>
      %logistic3A_35 = arith.divf %logistic3A_33, %logistic3A_34 : vector<128x768xf32>
      %mul3A = arith.mulf %slice3A, %logistic3A_35 : vector<128x768xf32>
      %mul3A_36 = arith.mulf %mul3A, %slice3A_30 : vector<128x768xf32>
      %get3A_37 = arith.constant 0 : index
      %get3A_38 = arith.constant 0 : index
      %get3A_39 = arith.constant 0 : index
      %get3A_40 = vector.load %arg7[%get3A_37, %get3A_38, %get3A_39] : memref<1x1024x768xf32, #tpu.memory_space<vmem>>, vector<1x1024x768xf32>
      %get3A_41 = vector.shape_cast %get3A_40 : vector<1x1024x768xf32> to vector<1024x768xf32>
      %convert_element_type3A_42 = arith.truncf %get3A_41 : vector<1024x768xf32> to vector<1024x768xbf16>
      %convert_element_type3A_43 = arith.truncf %mul3A_36 : vector<128x768xf32> to vector<128x768xbf16>
      %dot_general3A_44 = arith.constant dense<0.000000e+00> : vector<128x1024xf32>
      %dot_general3A_45 = tpu.matmul %convert_element_type3A_43, %convert_element_type3A_42, %dot_general3A_44 {dimension_numbers = #tpu.dot_dimension_numbers<[1], [1], [0], [0], [0, 0, 1, 0], [], []>, transpose_lhs_hint = false} : vector<128x768xbf16>, vector<1024x768xbf16>, vector<128x1024xf32> -> vector<128x1024xf32>
      %get3A_46 = arith.constant 0 : index
      %get3A_47 = arith.constant 0 : index
      %get3A_48 = arith.constant 0 : index
      %get3A_49 = vector.load %arg4[%get3A_46, %get3A_47, %get3A_48] : memref<1x1x128xf32, #tpu.memory_space<vmem>>, vector<1x1x128xf32>
      %get3A_50 = vector.shape_cast %get3A_49 : vector<1x1x128xf32> to vector<1x128xf32>
      %transpose3A_51 = tpu.transpose %get3A_50, [1, 0] : vector<1x128xf32> -> vector<128x1xf32>
      %mul3A_52 = vector.broadcast %transpose3A_51 : vector<128x1xf32> to vector<128x1024xf32>
      %mul3A_53 = arith.mulf %dot_general3A_45, %mul3A_52 : vector<128x1024xf32>
      %iota3A_54 = tpu.iota {dimensions = array<i32: 0>} : vector<2048x128xi32>
      %convert_element_type3A_55 = arith.sitofp %iota3A_54 : vector<2048x128xi32> to vector<2048x128xf32>
      %get3A_56 = arith.constant 0 : index
      %get3A_57 = arith.constant 0 : index
      %get3A_58 = arith.constant 0 : index
      %get3A_59 = vector.load %arg3[%get3A_56, %get3A_57, %get3A_58] : memref<1x1x128xf32, #tpu.memory_space<vmem>>, vector<1x1x128xf32>
      %get3A_60 = vector.shape_cast %get3A_59 : vector<1x1x128xf32> to vector<1x128xf32>
      %eq3A_61 = vector.broadcast %get3A_60 : vector<1x128xf32> to vector<2048x128xf32>
      %eq3A_62 = arith.cmpf oeq, %eq3A_61, %convert_element_type3A_55 : vector<2048x128xf32>
      %jit3A_63 = arith.constant 1.000000e+00 : f32
      %jit3A_64 = arith.constant 0.000000e+00 : f32
      %broadcast_in_dim3A_65 = vector.broadcast %jit3A_63 : f32 to vector<2048x128xf32>
      %broadcast_in_dim3A_66 = vector.broadcast %jit3A_64 : f32 to vector<2048x128xf32>
      %select_n3A_67 = arith.select %eq3A_62, %broadcast_in_dim3A_65, %broadcast_in_dim3A_66 : vector<2048x128xi1>, vector<2048x128xf32>
      %convert_element_type3A_68 = arith.truncf %select_n3A_67 : vector<2048x128xf32> to vector<2048x128xbf16>
      %get3A_69 = arith.constant 0 : index
      %get3A_70 = arith.constant 0 : index
      %get3A_71 = vector.load %arg8[%get3A_69, %get3A_70] : memref<2048x1024xf32, #tpu.memory_space<vmem>>, vector<2048x1024xf32>
      %convert_element_type3A_72 = arith.truncf %mul3A_53 : vector<128x1024xf32> to vector<128x1024xbf16>
      %dot_general3A_73 = arith.constant dense<0.000000e+00> : vector<2048x1024xf32>
      %dot_general3A_74 = tpu.matmul %convert_element_type3A_68, %convert_element_type3A_72, %dot_general3A_73 {dimension_numbers = #tpu.dot_dimension_numbers<[1], [0], [0], [1], [0, 0, 1, 1], [], []>, transpose_lhs_hint = false} : vector<2048x128xbf16>, vector<128x1024xbf16>, vector<2048x1024xf32> -> vector<2048x1024xf32>
      %add3A = arith.addf %get3A_71, %dot_general3A_74 : vector<2048x1024xf32>
      %swap3A = arith.constant 0 : index
      %swap3A_75 = arith.constant 0 : index
      %swap3A_76 = vector.load %arg8[%swap3A, %swap3A_75] : memref<2048x1024xf32, #tpu.memory_space<vmem>>, vector<2048x1024xf32>
      tpu.vector_store %arg8[%swap3A, %swap3A_75], %add3A {strides = array<i32>} : memref<2048x1024xf32, #tpu.memory_space<vmem>>, vector<2048x1024xf32>,
    } else {
    }
    return
  }
  func.func @transform_0(%arg0: i32, %arg1: memref<128xi32, #tpu.memory_space<smem>>, %arg2: memref<1xi32, #tpu.memory_space<smem>>) -> (i32, i32, i32) {
    %c0_i32 = arith.constant 0 : i32
    %c0_i32_0 = arith.constant 0 : i32
    %c0_i32_1 = arith.constant 0 : i32
    return %arg0, %c0_i32, %c0_i32_0 : i32, i32, i32
  }
  func.func @transform_1(%arg0: i32, %arg1: memref<128xi32, #tpu.memory_space<smem>>, %arg2: memref<1xi32, #tpu.memory_space<smem>>) -> (i32, i32, i32) {
    %c0_i32 = arith.constant 0 : i32
    %c0_i32_0 = arith.constant 0 : i32
    %c0_i32_1 = arith.constant 0 : i32
    return %arg0, %c0_i32, %c0_i32_0 : i32, i32, i32
  }
  func.func @transform_2(%arg0: i32, %arg1: memref<128xi32, #tpu.memory_space<smem>>, %arg2: memref<1xi32, #tpu.memory_space<smem>>) -> (i32, i32) {
    %c0_i32 = arith.constant 0 : i32
    %c0_i32_0 = arith.constant 0 : i32
    %c0_i32_1 = arith.constant 0 : i32
    return %c0_i32, %c0_i32_0 : i32, i32
  }
  func.func @transform_3(%arg0: i32, %arg1: memref<128xi32, #tpu.memory_space<smem>>, %arg2: memref<1xi32, #tpu.memory_space<smem>>) -> (i32, i32, i32) {
    %get3A = arith.index_cast %arg0 : i32 to index
    %get3A_0 = memref.load %arg1[%get3A] : memref<128xi32, #tpu.memory_space<smem>>
    %c0_i32 = arith.constant 0 : i32
    %c0_i32_1 = arith.constant 0 : i32
    %c0_i32_2 = arith.constant 0 : i32
    return %get3A_0, %c0_i32, %c0_i32_1 : i32, i32, i32
  }
  func.func @transform_4(%arg0: i32, %arg1: memref<128xi32, #tpu.memory_space<smem>>, %arg2: memref<1xi32, #tpu.memory_space<smem>>) -> (i32, i32, i32) {
    %get3A = arith.index_cast %arg0 : i32 to index
    %get3A_0 = memref.load %arg1[%get3A] : memref<128xi32, #tpu.memory_space<smem>>
    %c0_i32 = arith.constant 0 : i32
    %c0_i32_1 = arith.constant 0 : i32
    %c0_i32_2 = arith.constant 0 : i32
    return %get3A_0, %c0_i32, %c0_i32_1 : i32, i32, i32
  }
  func.func @transform_5(%arg0: i32, %arg1: memref<128xi32, #tpu.memory_space<smem>>, %arg2: memref<1xi32, #tpu.memory_space<smem>>) -> (i32, i32) {
    %c0_i32 = arith.constant 0 : i32
    %c0_i32_0 = arith.constant 0 : i32
    %c0_i32_1 = arith.constant 0 : i32
    return %c0_i32, %c0_i32_0 : i32, i32
  }
}

</mosaic_0001>

<sc_bundles>
// kernel: kernel.5.cloned.1.call-start
scs
__scs_entry_jumppad:
0x0: {  	(pc) =	sbr.rel $0x88, $3  }
0x1: {  	(tag) =	ssettag $0x0;
	lr =	simm.s32 $0x1  }
0x2: {  	[smem:$0x3F9D] =	sst lr;
	_ =	strace $0xD0000000  }
0x3: {  	_ = 	snop  }
0x4: {  	_ = 	snop  }
0x5: {  	_ = 	snop  }
0x6: {  	_ = 	snop  }
0x7: {  	_ = 	snop  }
__scs_overlays_trampoline_lowered:
0x8: {  	[smem:$0x3FAC] =	sst s0  }
0x9: {  	[smem:$0x3FAD] =	sst s1  }
0xa: {  	[smem:$0x3FAE] =	sst s2  }
0xb: {  	[smem:$0x3FAF] =	sst s3  }
0xc: {  	[smem:$0x3FB0] =	sst s4  }
0xd: {  	[smem:$0x3FB1] =	sst s5  }
0xe: {  	[smem:$0x3FB2] =	sst s6  }
0xf: {  	[smem:$0x3FB3] =	sst s7  }
0x10: {  	[smem:$0x3FB4] =	sst s8  }
0x11: {  	[smem:$0x3FB5] =	sst s9;
	s0 =	simm.s32 @!p0 $0x0  }
0x12: {  	s1 =	sld [smem:$0x3F9B];
	s0 =	simm.s32 @p0 $0x1  }
0x13: {  	[smem:$0x3FB6] =	sst s0;
	s0 =	simm.s32 @!p1 $0x0  }
0x14: {  	s2 =	sld [smem:$0x3F9A];
	s0 =	simm.s32 @p1 $0x1  }
0x15: {  	[smem:$0x3FB7] =	sst s0;
	s0 =	simm.s32 @!p2 $0x0  }
0x16: {  	s3 =	sld [smem:$0x3FDB];
	s0 =	simm.s32 @p2 $0x1  }
0x17: {  	s4 =	simm.s32 $0x1BF5;
	[smem:$0x3FB9] =	sst s0  }
0x18: {  	s0 =	sld [smem:$0x3F9C];
	_ =	swait.ge [sflag:s4], $0x0  }
0x19: {  	s7 =	sld [smem:$0x3F9D]  }
0x1a: {  	s8 =	sadd.s32 $0xFFFFE003, lr  }
0x1b: {  	s9 =	sadd.s32 $0xFFFFFEF7, lr;
	s5 =	simm.s32 $0xFFFFFFFF;
	p2 =	slt.u32 s8, $0xFFFFF086  }
0x1c: {  	p1 =	slt.u32 s9, $0xF7A;
	s5 =	simm.s32 @!p2 $0x0  }
0x1d: {  	s5 =	simm.s32 @p1 $0x1;
	p0 =	seq.s32 s7, s2  }
0x1e: {  	s7 =	smul.u32 @!p0 $0xF7A, s2;
	p2 =	seq.s32 @!p0 s5, $0x0  }
0x1f: {  	s9 =	smul.u32 $0xF7A, s1;
	s8 =	simm.s32 @!p0 $0x1BF5;
	p2 =	por !p2, p0  }
0x20: {  	[sflag:s8] =	ssyncset.s32 @!p0 $0xFFFFF086;
	s6 =	sadd.s32 @!p0 s3, s7;
	s7 =	simm.s32 @!p0 $0x108  }
0x21: {  	s3 =	sadd.s32 s3, s9;
	s6 =	sadd.s32 @!p0 $0x88, s6;
	s7 =	simm.s32 @p2 $0x1082  }
0x22: {  	[simem:s7], [sflag:s8] =	dma.local @!p0 [hbm:s6], $0xF7A  }
0x23: {  	s9 =	sor.u32 $0xD0000000, s2;
	s6 =	simm.s32 $0x108;
	_ =	swait.ge @!p0 [sflag:s8], $0x0  }
0x24: {  	s3 =	sadd.s32 $0x88, s3;
	s6 =	simm.s32 @!p1 $0x1082;
	[sflag:s4] =	ssyncset.s32 $0xFFFFF086  }
0x25: {  	[simem:s6], [sflag:s4] =	dma.local [hbm:s3], $0xF7A  }
0x26: {  	[smem:$0x3F9D] =	sst s1;
	(tag) =	ssettag s2;
	_ =	strace s9  }
0x27: {  	s1 =	sld [smem:$0x3FAD]  }
0x28: {  	s2 =	sld [smem:$0x3FAE]  }
0x29: {  	s4 =	sld [smem:$0x3FB0]  }
0x2a: {  	p0 =	seq.s32 s5, $0x0;
	s5 =	sld [smem:$0x3FB1]  }
0x2b: {  	s6 =	sld [smem:$0x3FB2]  }
0x2c: {  	s7 =	sld [smem:$0x3FB3]  }
0x2d: {  	s3 =	simm.s32 $0x108;
	s8 =	sld [smem:$0x3FB4]  }
0x2e: {  	s3 =	simm.s32 @!p0 $0x1082;
	s9 =	sld [smem:$0x3FB5]  }
0x2f: {  	lr =	sadd.s32 s0, s3;
	s0 =	sld [smem:$0x3FAC]  }
0x30: {  	s3 =	sld [smem:$0x3FAF]  }
0x31: {  	[smem:$0x3FB8] =	sst s10  }
0x32: {  	s10 =	sld [smem:$0x3FB6];
	_ =	sdelay $0x3  }
0x33: {  	p0 =	seq.s32 s10, $0x1;
	s10 =	sld [smem:$0x3FB8];
	_ =	sdelay $0x3  }
0x34: {  	[smem:$0x3FB8] =	sst s10  }
0x35: {  	s10 =	sld [smem:$0x3FB7];
	_ =	sdelay $0x3  }
0x36: {  	p1 =	seq.s32 s10, $0x1;
	s10 =	sld [smem:$0x3FB8];
	_ =	sdelay $0x3  }
0x37: {  	[smem:$0x3FB8] =	sst s10  }
0x38: {  	s10 =	sld [smem:$0x3FB9]  }
0x39: {  	_ = 	snop;
	(pc) =	sbr.ind lr, $3  }
0x3a: {  	_ = 	snop  }
0x3b: {  	_ = 	snop  }
0x3c: {  	p2 =	seq.s32 s10, $0x1;
	s10 =	sld [smem:$0x3FB8]  }
0x3d: {  	_ =	shalt  }
0x3e: {  	_ =	shalt  }
0x3f: {  	_ =	shalt  }
0x40: {  	_ =	shalt  }
0x41: {  	_ =	shalt  }
0x42: {  	_ =	shalt  }
0x43: {  	_ =	shalt  }
0x44: {  	_ =	shalt  }
0x45: {  	_ =	shalt  }
0x46: {  	_ =	shalt  }
0x47: {  	_ =	shalt  }
0x48: {  	_ =	shalt  }
0x49: {  	_ =	shalt  }
0x4a: {  	_ =	shalt  }
0x4b: {  	_ =	shalt  }
0x4c: {  	_ =	shalt  }
0x4d: {  	_ =	shalt  }
0x4e: {  	_ =	shalt  }
0x4f: {  	_ =	shalt  }
0x50: {  	_ =	shalt  }
0x51: {  	_ =	shalt  }
0x52: {  	_ =	shalt  }
0x53: {  	_ =	shalt  }
0x54: {  	_ =	shalt  }
0x55: {  	_ =	shalt  }
0x56: {  	_ =	shalt  }
0x57: {  	_ =	shalt  }
0x58: {  	_ =	shalt  }
0x59: {  	_ =	shalt  }
0x5a: {  	_ =	shalt  }
0x5b: {  	_ =	shalt  }
0x5c: {  	_ =	shalt  }
0x5d: {  	_ =	shalt  }
0x5e: {  	_ =	shalt  }
0x5f: {  	_ =	shalt  }
0x60: {  	_ =	shalt  }
0x61: {  	_ =	shalt  }
0x62: {  	_ =	shalt  }
0x63: {  	_ =	shalt  }
0x64: {  	_ =	shalt  }
0x65: {  	_ =	shalt  }
0x66: {  	_ =	shalt  }
0x67: {  	_ =	shalt  }
0x68: {  	_ =	shalt  }
0x69: {  	_ =	shalt  }
0x6a: {  	_ =	shalt  }
0x6b: {  	_ =	shalt  }
0x6c: {  	_ =	shalt  }
0x6d: {  	_ =	shalt  }
0x6e: {  	_ =	shalt  }
0x6f: {  	_ =	shalt  }
0x70: {  	_ =	shalt  }
0x71: {  	_ =	shalt  }
0x72: {  	_ =	shalt  }
0x73: {  	_ =	shalt  }
0x74: {  	_ =	shalt  }
0x75: {  	_ =	shalt  }
0x76: {  	_ =	shalt  }
0x77: {  	_ =	shalt  }
0x78: {  	_ =	shalt  }
0x79: {  	_ =	shalt  }
0x7a: {  	_ =	shalt  }
0x7b: {  	_ =	shalt  }
0x7c: {  	_ =	shalt  }
0x7d: {  	_ =	shalt  }
0x7e: {  	_ =	shalt  }
0x7f: {  	_ =	shalt  }
0x80: {  	_ =	shalt  }
0x81: {  	_ =	shalt  }
0x82: {  	_ =	shalt  }
0x83: {  	_ =	shalt  }
0x84: {  	_ =	shalt  }
0x85: {  	_ =	shalt  }
0x86: {  	_ =	shalt  }
0x87: {  	_ =	shalt  }
.Lfunc_end0:
.L_simem_size_0:
called_computation_lowered:
.L_overlay_start_0:
0x88: {  	s2 =	sld [smem:$0x3FD9]  }
0x89: {  	s3 =	sld [smem:$0x3FFE];
	_ =	sdelay $0x1  }
0x8a: {  	s1 =	srdreg.scid  }
0x8b: {  	s0 =	sand.u32 $0x1, s1  }
0x8c: {  	s17 =	sshll.u32 s0, $0xA;
	s2 =	sadd.s32 s3, s2  }
0x8d: {  	s2 =	sadd.s32 s2, s17  }
0x8e: {  	[smem:$0x3FC4] =	sst s2  }
0x8f: {  	_ = 	snop  }
0x90: {  	s2 =	sld [smem:$0x3FD0];
	(tm) =	ssettm $0x1  }
0x91: {  	s18 =	sld [smem:$0x3FFB];
	_ =	sdelay $0x3  }
0x92: {  	_ =	strace s18  }
0x93: {  	s3 =	sld [smem:$0x3FFC];
	_ =	sdelay $0x3  }
0x94: {  	_ =	strace s3  }
0x95: {  	s3 =	sld [smem:$0x3FFD];
	_ =	sdelay $0x3  }
0x96: {  	_ =	strace s3  }
0x97: {  	_ =	strace $0x8FFFFFFF  }
0x98: {  	s19 =	sld [smem:$0x3FDB];
	_ =	sdelay $0x1  }
0x99: {  	s4 =	simm.s32 $_scs_section_size  }
0x9a: {  	s5 =	simm.s32 $_size__tile_overlayer_lowered;
	s6 =	simm.s32 $_tile_overlayer_lowered  }
0x9b: {  	s22 =	simm.s32 $0x1BFF;
	s21 =	sshll.u32 s6, $0x1;
	s3 =	sadd.s32 s4, s19  }
0x9c: {  	s7 =	simm.s32 $0x0;
	s20 =	sshll.u32 s5, $0x1;
	s5 =	sadd.s32 s21, s3  }
0x9d: {  	[timem:s7], [sflag:s22] =	dma.local [hbm:s5], s20  }
0x9e: {  	_ =	swait.ge [sflag:s22], s20  }
0x9f: {  	s4 =	ssub.s32 $0x0, s20;
	[sflag:s22] =	ssyncset.done $0x0  }
0xa0: {  	[sflag:s22] =	ssyncadd.s32 s4;
	_ =	sdelay $0x1  }
0xa1: {  	s23 =	simm.s32 $0x1B8B  }
0xa2: {  	_ =	swait.ge [sflag:s23], $0x1  }
0xa3: {  	[sflag:s23] =	ssyncset.done $0x0  }
0xa4: {  	s25 =	simm.s32 $0x1B8E;
	s24 =	sld [smem:$0x3FFE];
	[sflag:s23] =	ssyncadd.s32 $0xFFFFFFFF  }
0xa5: {  	s26 =	simm.s32 $execute0_lowered;
	[smem:$0x3FD2] =	sst s25  }
0xa6: {  	s5 =	sshll.u32 s26, $0x1;
	_ =	strace $0x80000046;
	[dreg:$0x1] =	wrdreg $0xFFFFFFFF  }
0xa7: {  	s28 =	simm.s32 $_size_execute0_lowered;
	s3 =	sadd.s32 s3, s5;
	[dreg:$0x0] =	wrdreg $0x0  }
0xa8: {  	s5 =	sshll.u32 s28, $0x1;
	[dreg:$0x2] =	wrdreg s3  }
0xa9: {  	[dreg:$0x3] =	wrdreg s5  }
0xaa: {  	[dreg:$0x4] =	wrdreg $0xC0  }
0xab: {  	_ =	task [dreg:s7], $0x5FFFF  }
0xac: {  	[dreg:$0x1] =	wrdreg $0xFFFFFFFF  }
0xad: {  	[dreg:$0x0] =	wrdreg $0x60  }
0xae: {  	[dreg:$0x2] =	wrdreg s24  }
0xaf: {  	[dreg:$0x3] =	wrdreg s2  }
0xb0: {  	[dreg:$0x4] =	wrdreg $0x9  }
0xb1: {  	_ =	task.clear_ibuf [dreg:s7], $0x5FFFF;
	_ =	strace $0x90000046  }
0xb2: {  	s29 =	simm.s32 $0x9;
	_ =	strace $0x80000048  }
0xb3: {  	_ =	swait.ge [sflag:s29], $0x1  }
0xb4: {  	[sflag:s29] =	ssyncadd.s32 $0xFFFFFFFF  }
0xb5: {  	_ =	strace $0x90000048  }
0xb6: {  	_ =	sfence  }
0xb7: {  	s30 =	sld [smem:$0x0];
	_ =	sdelay $0x2  }
0xb8: {  	s31 =	sshll.u32 s1, $0xD;
	s1 =	sshrl.u32 s1, $0x2  }
0xb9: {  	s3 =	sand.u32 $0x4000, s31;
	s1 =	sadd.s32 s1, s30  }
0xba: {  	s0 =	sor.u32 s3, s0;
	s1 =	sshll.u32 s1, $0x11  }
0xbb: {  	s0 =	sor.u32 s1, s0  }
0xbc: {  	s0 =	sadd.s32 $0x8F2B, s0  }
0xbd: {  	[sflag:s0] =	ssyncadd.remote.s32 $0x1  }
0xbe: {  	_ =	sfence.sel $0xFFFF  }
0xbf: {  	[dreg:$0x0] =	wrdreg $0xFFFFFFFF;
	(pc) =	sbr.abs _section_cstart, $3  }
0xc0: {  	[dreg:$0x1] =	wrdreg $0xFFFFFFFF  }
0xc1: {  	_ =	task.clear_ibuf [dreg:s7], $0x2FFFF;
	_ =	strace $0x9FFFFFFF  }
0xc2: {  	(tm) =	ssettm $0x7FFFFFFF  }
0xc3: {  	_ =	shalt  }
tec
execute0_lowered:
.L_overlay_start_1:
0x0: {  	(tag) =	ssettag $0x1  }
0x1: {  	s0 =	srdreg.scid  }
0x2: {  	s3 =	sand.u32 $0x1, s0;
	s0 =	stileid.u32  }
0x3: {  	s4 =	sshll.u32 s0, $0x1;
	s6 =	ssub.s32 $0x0, s3  }
0x4: {  	p0 =	sne.s32 s4, s6  }
.Ltmp0:
0x5: {  	_ = 	snop;
	(pc) =	sbr.rel @p0 .LBB2_7-.Ltmp0, $4  }
0x6: {  	_ = 	snop  }
0x7: {  	s5 =	rddreg [dreg:$0x0]  }
0x8: {  	s2 =	rddreg [dreg:$0x1]  }
0x9: {  	s1 =	rddreg [dreg:$0x2];
	_ =	strace $0x80000047  }
0xa: {  	s4 =	ssub.s32 $0x2, s3  }
0xb: {  	s3 =	sadd.s32 $0x200, s5;
	s7 =	simm.s32 $0x0;
	s8 =	simm.s32 $0x1  }
0xc: {  	s9 =	simm.s32 $0x1000;
	s10 =	simm.s32 $0x2000;
	s6 =	sshrl.u32 s4, $0x1  }
0xd: {  	s11 =	simm.s32 $0x5000;
	s12 =	simm.s32 $0x0;
	s6 =	ssub.s32 s4, s6  }
0xe: {  	v0 =	vimm.f32 $0.0e+00;
	v1 =	vlaneseq.u32;
	s4 =	sadd.s32 $0x400, s5;
	s5 =	sadd.s32 $0x600, s5;
	s6 =	smax.u32 s6, $0x1  }
.LBB2_2:
0xf: {  	[tilespmem:s7], [sflag:$0x1] =	stream.linear.gather [hbm4b:s3+s7], $0x1000, $0x38;
	[tilespmem:$0x8000] =	vst v63  }
0x10: {  	_ =	swait.ge [sflag:s8], $0x1000  }
0x11: {  	[sflag:s8] =	ssyncset.done $0x0  }
0x12: {  	[sflag:s8] =	ssyncadd.s32 $0xFFFFF000  }
0x13: {  	[tilespmem:s9], [sflag:$0x1] =	stream.linear.gather [hbm4b:s4+s7], $0x1000, $0x38;
	[tilespmem:$0x8000] =	vst v63  }
0x14: {  	_ =	swait.ge [sflag:s8], $0x1000  }
0x15: {  	[sflag:s8] =	ssyncset.done $0x0  }
0x16: {  	s13 =	simm.s32 $0x0;
	[sflag:s8] =	ssyncadd.s32 $0xFFFFF000  }
.LBB2_3:
0x17: {  	p0 =	sne.s32 s13, $0xBFC0  }
.Ltmp1:
0x18: {  	_ = 	snop;
	(pc) =	sbr.rel @p0 .LBB2_3-.Ltmp1, $4  }
0x19: {  	_ = 	snop  }
0x1a: {  	s14 =	sshra.s32 s13, $0x2  }
0x1b: {  	[tilespmem:s14+$0x2000] =	vst v0  }
0x1c: {  	s13 =	sadd.s32 $0x40, s13;
	[tilespmem:s14+$0x5000] =	vst v0  }
0x1d: {  	s13 =	simm.s32 $0x0  }
0x1e: {  	v2 =	vld [tilespmem:s13+$0x0];
	_ =	sdelay $0x3  }
0x1f: {  	v3 =	vor.u32 s13, v1  }
0x20: {  	v3 =	vand.u32 $0x7FF, v3  }
0x21: {  	v3 =	vcvt.s32.f32 v3;
	_ =	sdelay $0x1  }
0x22: {  	s13 =	simm.s32 $0x1000;
	[tilespmem:v2+s10+$0x0] =	vst.idx.msk $0xffff, v3  }
0x23: {  	v3 =	vld [tilespmem:s13+$0x0];
	_ =	sdelay $0x4  }
0x24: {  	s14 =	simm.s32 $0x10;
	[tilespmem:v2+s11+$0x0] =	vst.idx.msk $0xffff, v3  }
0x25: {  	s15 =	simm.s32 $0x20;
	s16 =	simm.s32 $0x10;
	v2 =	vld [tilespmem:s14+$0x0]  }
.LBB2_5:
0x26: {  	p0 =	sne.s32 s15, $0xFF0;
	_ =	sdelay $0x2  }
0x27: {  	v3 =	vor.u32 s14, v1;
	s14 =	smov.u32 s15  }
0x28: {  	v3 =	vand.u32 $0x7FF, v3  }
0x29: {  	v3 =	vcvt.s32.f32 v3;
	_ =	sdelay $0x1  }
0x2a: {  	s13 =	sadd.s32 $0x10, s13;
	[tilespmem:v2+s10+$0x0] =	vst.idx.msk $0xffff, v3  }
0x2b: {  	v3 =	vld [tilespmem:s13+$0x0];
	_ =	sdelay $0x1  }
.Ltmp2:
0x2c: {  	(pc) =	sbr.rel @p0 .LBB2_5-.Ltmp2, $3  }
0x2d: {  	_ =	sdelay $0x1  }
0x2e: {  	s16 =	sadd.s32 $0x10, s16;
	[tilespmem:v2+s11+$0x0] =	vst.idx.msk $0xffff, v3  }
0x2f: {  	s15 =	sadd.s32 $0x10, s15;
	v2 =	vld [tilespmem:s16+$0x0]  }
0x30: {  	_ =	sdelay $0x3  }
0x31: {  	v3 =	vor.u32 s14, v1  }
0x32: {  	v3 =	vand.u32 $0x7FF, v3  }
0x33: {  	v3 =	vcvt.s32.f32 v3;
	_ =	sdelay $0x1  }
0x34: {  	s13 =	sadd.s32 $0x10, s13;
	[tilespmem:v2+s10+$0x0] =	vst.idx.msk $0xffff, v3  }
0x35: {  	v3 =	vld [tilespmem:s13+$0x0];
	_ =	sdelay $0x4  }
0x36: {  	[tilespmem:v2+s11+$0x0] =	vst.idx.msk $0xffff, v3  }
0x37: {  	[hbm4b:s2+s7] =	stream.linear.scatter [tilespmem:s10], [sflag:$0x1], $0x3000, $0x38;
	[tilespmem:$0x8000] =	vst v63  }
0x38: {  	s12 =	sadd.s32 $0x1, s12;
	_ =	swait.ge [sflag:s8], $0x3000  }
0x39: {  	p0 =	sne.s32 s12, s6;
	[sflag:s8] =	ssyncset.done $0x0  }
.Ltmp3:
0x3a: {  	[sflag:s8] =	ssyncadd.s32 $0xFFFFD000;
	(pc) =	sbr.rel @p0 .LBB2_2-.Ltmp3, $4  }
0x3b: {  	[hbm4b:s5+s7] =	stream.linear.scatter [tilespmem:s11], [sflag:$0x1], $0x3000, $0x38;
	[tilespmem:$0x8000] =	vst v63  }
0x3c: {  	_ =	swait.ge [sflag:s8], $0x3000  }
0x3d: {  	[sflag:s8] =	ssyncset.done $0x0  }
0x3e: {  	[sflag:s8] =	ssyncadd.s32 $0xFFFFD000  }
.LBB2_7:
0x3f: {  	_ =	sfence.sel $0x180000  }
0x40: {  	[bflag:$0x0] =	sbarrier.arrive $0xFFFF  }
0x41: {  	p0 =	sne.s32 s0, $0x0;
	_ =	strace $0x90000047  }
0x42: {  	s0 =	sadd.s32 @!p0 $0x100000, s1;
	[bflag:$0x2] =	sbarrier.arrive $0xFFFF  }
0x43: {  	[sflag:s0] =	ssyncadd.tile.s32 @!p0 $0x1;
	_ =	shalt  }
.Lfunc_end2:
_tile_overlayer_lowered:
.L_overlay_start_2:
0x44: {  	(tag) =	ssettag $0x2  }
0x45: {  	s0 =	rddreg [dreg:$0x0];
	s2 =	stileid.u32  }
0x46: {  	s1 =	rddreg [dreg:$0x1];
	p0 =	sne.s32 s2, $0x0  }
0x47: {  	s3 =	rddreg [dreg:$0x2];
	[bflag:$0x3] =	sbarrier.arrive $0xFFFF;
	s2 =	simm.s32 @!p0 $0x1C01  }
0x48: {  	[timem:s3], [sflag:s2] =	dma.local @!p0 [hbm:s0], s1  }
0x49: {  	s0 =	simm.s32 @!p0 $0x1  }
0x4a: {  	_ =	swait.ge @!p0 [sflag:s0], s1  }
0x4b: {  	s1 =	ssub.s32 @!p0 $0x0, s1;
	[sflag:s0] =	ssyncset.done @!p0 $0x0  }
0x4c: {  	[sflag:s0] =	ssyncadd.s32 @!p0 s1  }
0x4d: {  	[bflag:$0x3] =	sbarrier.arrive $0xFFFF  }
0x4e: {  	_ =	shalt  }

</sc_bundles>
